<compile_context>
chip_gen: v7x
topology: tpu7x:2x2x1
jax: 0.10.2.dev20260603
libtpu: 0.0.44.dev20260713+nightly
codegen_flags: <defaults>
</compile_context>

<pallas_src>
import functools

import jax
import jax.numpy as jnp
from jax import lax
from jax.experimental import pallas as pl
from jax.experimental.pallas import tpu as pltpu
from jax.experimental.pallas import tpu_sc as plsc

N_CLASSES = 32
CCE_W = 1.0
DICE_W = 0.5
EPS = 1e-08
BN = 32768

_info = plsc.get_sparse_core_info()
_NC, _NS, _L = _info.num_cores, _info.num_subcores, _info.num_lanes
_NW = _NC * _NS
_NBINS = N_CLASSES * N_CLASSES
_CHUNK = 512


def _tc_kernel(pred_ref, gt_ref, w_ref, cce_ref, bins_ref, cce_acc):
    i = pl.program_id(0)
    nsteps = pl.num_programs(0)

    @pl.when(i == 0)
    def _init():
        cce_acc[0, 0] = 0.0

    x = pred_ref[...]
    g = gt_ref[...]
    wcol = w_ref[...]
    ones8 = jnp.ones((8, N_CLASSES), jnp.float32)

    e = jnp.exp(x)
    s = lax.dot_general(ones8, e, (((1,), (0,)), ((), ())),
                        preferred_element_type=jnp.float32)[0:1]
    q = e / s

    eq = jnp.exp(q)
    t = lax.dot_general(ones8, eq, (((1,), (0,)), ((), ())),
                        preferred_element_type=jnp.float32)[0:1]
    lse = jnp.log(t)
    gw = g * wcol
    sgw = lax.dot_general(ones8, gw, (((1,), (0,)), ((), ())),
                          preferred_element_type=jnp.float32)[0:1]
    cce_acc[0, 0] += jnp.sum(lse * sgw) - jnp.sum(gw * q)

    m = jnp.max(x, axis=0, keepdims=True)
    gm = jnp.max(g, axis=0, keepdims=True)
    pred_oh = (x == m).astype(jnp.float32)
    gt_oh = (g == gm).astype(jnp.float32)
    cls8 = jax.lax.broadcasted_iota(
        jnp.int32, (8, N_CLASSES), 1).astype(jnp.float32)
    pidx = lax.dot_general(cls8, pred_oh, (((1,), (0,)), ((), ())),
                           preferred_element_type=jnp.float32)[0:1]
    gidx = lax.dot_general(cls8, gt_oh, (((1,), (0,)), ((), ())),
                           preferred_element_type=jnp.float32)[0:1]
    binf = jnp.clip(gidx * N_CLASSES + pidx, 0.0, float(_NBINS - 1))
    bins_ref[...] = binf.astype(jnp.int32)

    @pl.when(i == nsteps - 1)
    def _finish():
        cce_ref[...] = jnp.full((1, 1), cce_acc[0, 0], dtype=jnp.float32)


def _make_sc_hist(n):
    per_w = n // _NW
    mesh = plsc.VectorSubcoreMesh(core_axis_name="c", subcore_axis_name="s")

    @functools.partial(
        pl.kernel, mesh=mesh,
        out_type=jax.ShapeDtypeStruct((_NC, _NBINS, _L), jnp.float32),
        scratch_types=[
            pltpu.VMEM((per_w,), jnp.int32),
            pltpu.VMEM((_CHUNK, _L), jnp.float32),
            pltpu.VMEM_SHARED((_NBINS, _L), jnp.float32),
        ],
    )
    def hist_k(bins_hbm, ones_hbm, zeros_hbm, out_hbm, idx_v, ones_v, shared):
        cid = lax.axis_index("c")
        sid = lax.axis_index("s")
        wid = sid * _NC + cid
        pltpu.sync_copy(bins_hbm.at[pl.ds(wid * per_w, per_w)], idx_v)
        pltpu.sync_copy(ones_hbm, ones_v)

        @pl.when(sid == 0)
        def _zero():
            pltpu.sync_copy(zeros_hbm, shared)
        plsc.subcore_barrier()
        for k in range(per_w // _CHUNK):
            pltpu.sync_copy(ones_v,
                            shared.at[idx_v.at[pl.ds(k * _CHUNK, _CHUNK)]],
                            add=True)
        plsc.subcore_barrier()

        @pl.when(sid == 0)
        def _out():
            pltpu.sync_copy(shared, out_hbm.at[cid])
    return hist_k


def _combine_kernel(parts_ref, cce_ref, w_ref, out_ref, *, n_total):
    p = parts_ref[0] + parts_ref[1]
    conf = p[:, 0:1].reshape(N_CLASSES, N_CLASSES)
    eye = (jax.lax.broadcasted_iota(jnp.int32, conf.shape, 0)
           == jax.lax.broadcasted_iota(jnp.int32, conf.shape, 1))
    tp = jnp.sum(jnp.where(eye, conf, 0.0), axis=0, keepdims=True)
    rows = jnp.sum(conf.T, axis=0, keepdims=True)
    cols = jnp.sum(conf, axis=0, keepdims=True)
    denom = rows + cols - tp
    dice = (tp + EPS) / (denom + EPS)
    dice_loss = jnp.sum((1.0 - dice) * w_ref[...]) / N_CLASSES
    cce_loss = cce_ref[0, 0] / n_total
    total = cce_loss * CCE_W + dice_loss * DICE_W
    out_ref[...] = jnp.full((1, 1), total, dtype=jnp.float32)


def kernel(predictions, ground_truth, class_weights):
    n, c = predictions.shape
    xT = predictions.T
    gT = ground_truth.T
    w2 = class_weights.reshape(c, 1)
    grid = (n // BN,)
    cce, bins = pl.pallas_call(
        _tc_kernel,
        grid=grid,
        in_specs=[
            pl.BlockSpec((c, BN), lambda i: (0, i)),
            pl.BlockSpec((c, BN), lambda i: (0, i)),
            pl.BlockSpec((c, 1), lambda i: (0, 0)),
        ],
        out_specs=[
            pl.BlockSpec((1, 1), lambda i: (0, 0)),
            pl.BlockSpec((1, BN), lambda i: (0, i)),
        ],
        out_shape=[
            jax.ShapeDtypeStruct((1, 1), jnp.float32),
            jax.ShapeDtypeStruct((1, n), jnp.int32),
        ],
        scratch_shapes=[pltpu.SMEM((1, 1), jnp.float32)],
    )(xT, gT, w2)

    ones_in = jnp.ones((_CHUNK, _L), jnp.float32)
    zeros_in = jnp.zeros((_NBINS, _L), jnp.float32)
    parts = _make_sc_hist(n)(bins.reshape(n), ones_in, zeros_in)

    out = pl.pallas_call(
        functools.partial(_combine_kernel, n_total=n),
        in_specs=[
            pl.BlockSpec((_NC, _NBINS, _L), lambda: (0, 0, 0)),
            pl.BlockSpec((1, 1), lambda: (0, 0)),
            pl.BlockSpec((1, c), lambda: (0, 0)),
        ],
        out_specs=pl.BlockSpec((1, 1), lambda: (0, 0)),
        out_shape=jax.ShapeDtypeStruct((1, 1), jnp.float32),
    )(parts, cce, class_weights.reshape(1, c))
    return out.reshape(())

# --- scband reference (transcript-rebuilt; emitter-appended) ---
"""Pipeline reference for scband-weighted-ccedice-loss-with-softmax-18915035971718 (READ-ONLY COPY).

The authoritative reference and input builder live on the scoring server;
editing this copy changes nothing except your own understanding.
"""

import jax, jax.numpy as jnp
import numpy as np

N_CLASSES = 32
CCE_WEIGHT = 1.0
DICE_WEIGHT = 0.5


def setup_inputs(seed: int = 0) -> dict:
    key = jax.random.key(seed)
    k1, k2 = jax.random.split(key)
    predictions = jax.random.normal(k1, (131072, N_CLASSES), dtype=jnp.float32)
    ground_truth = jax.random.uniform(k2, (131072, N_CLASSES), dtype=jnp.float32)
    class_weights = jnp.array([1.0, 2.0] * (N_CLASSES // 2), dtype=jnp.float32)
    return {"predictions": predictions, "ground_truth": ground_truth, "class_weights": class_weights}


def reference(predictions, ground_truth, class_weights):
    # softmax over class dim (dim=1 in torch)
    predictions_softmax = jax.nn.softmax(predictions, axis=1)
    prediction_category = jnp.argmax(predictions_softmax, axis=1)
    ground_truth_category = jnp.argmax(ground_truth, axis=1)
    n_classes = class_weights.shape[0]
    # confusion matrix via 2D histogram scatter-add (replaces python loop)
    confusion_matrix = jnp.zeros((n_classes, n_classes), dtype=jnp.float32)
    confusion_matrix = confusion_matrix.at[ground_truth_category, prediction_category].add(1.0)
    tp_classes = jnp.diag(confusion_matrix)
    fp_classes = confusion_matrix.sum(axis=0) - tp_classes
    fn_classes = confusion_matrix.sum(axis=1) - tp_classes
    esp = 1e-08
    dice = (tp_classes + esp) / (tp_classes + fp_classes + fn_classes + esp)
    dice_loss = ((1.0 - dice) * class_weights).mean()
    # F.cross_entropy with class-probability targets and per-class weights,
    # reduction='mean' (divide by N for prob targets). Note: input is the
    # already-softmaxed predictions (faithful to the torch module).
    logp = jax.nn.log_softmax(predictions_softmax, axis=1)
    per_sample = -jnp.sum(ground_truth * class_weights[None, :] * logp, axis=1)
    cce_loss = per_sample.mean()
    cce_dice_loss = cce_loss * CCE_WEIGHT + dice_loss * DICE_WEIGHT
    return cce_dice_loss

if __name__ == "__main__":
    import jax
    _d = setup_inputs()
    print(jax.jit(kernel)(*tuple(_d.values())))

</pallas_src>

<mosaic_0001>
#map = affine_map<(d0, d1) -> (0)>
#map1 = affine_map<(d0, d1) -> (0, 0)>
#map2 = affine_map<(d0, d1) -> (0, 0, 0)>
module attributes {stable_mosaic.version = 14 : i64} {
  func.func @hist_k(%arg0: i32, %arg1: i32, %arg2: memref<131072xi32, #tpu.memory_space<hbm>>, %arg3: memref<512x16xf32, #tpu.memory_space<hbm>>, %arg4: memref<1024x16xf32, #tpu.memory_space<hbm>>, %arg5: memref<2x1024x16xf32, #tpu.memory_space<hbm>>, %arg6: memref<4096xi32, #tpu.memory_space<vmem>>, %arg7: memref<512x16xf32, #tpu.memory_space<vmem>>, %arg8: memref<1024x16xf32, #tpu.memory_space<vmem_shared>>) attributes {dimension_semantics = [#tpu.dimension_semantics<core_parallel>, #tpu.dimension_semantics<subcore_parallel>], iteration_bounds = array<i64: 2, 16>, scalar_prefetch = 0 : i64, scratch_operands = 3 : i64, tpu.core_type = #tpu.core_type<sc_vector_subcore>, window_params = [{transform_indices = #map}, {transform_indices = #map1}, {transform_indices = #map1}, {transform_indices = #map2}]} {
    %mul3A = arith.constant 2 : i32
    %mul3A_0 = arith.muli %arg1, %mul3A : i32
    %add3A = arith.addi %mul3A_0, %arg0 : i32
    %mul3A_1 = arith.constant 4096 : i32
    %mul3A_2 = arith.muli %add3A, %mul3A_1 : i32
    "tpu.region"() ({
      %run_scoped3A = tpu.sem_alloc : memref<!tpu.dma_semaphore, #tpu.memory_space<semaphore_mem>>
      %dma_start3A = tpu.memref_slice %arg2[%mul3A_2] : memref<131072xi32, #tpu.memory_space<hbm>> -> memref<4096xi32, #tpu.memory_space<hbm>>
      %dma_start3A_11 = tpu.memref_slice %arg2[%mul3A_2] : memref<131072xi32, #tpu.memory_space<hbm>> -> memref<4096xi32, #tpu.memory_space<hbm>>
      tpu.enqueue_dma source(%dma_start3A_11 : memref<4096xi32, #tpu.memory_space<hbm>>) target(%arg6 : memref<4096xi32, #tpu.memory_space<vmem>>) target_semaphore(%run_scoped3A : memref<!tpu.dma_semaphore, #tpu.memory_space<semaphore_mem>>)
      %dma_wait3A = tpu.memref_slice %arg2[%mul3A_2] : memref<131072xi32, #tpu.memory_space<hbm>> -> memref<4096xi32, #tpu.memory_space<hbm>>
      %dma_wait3A_12 = tpu.memref_slice %arg2[%mul3A_2] : memref<131072xi32, #tpu.memory_space<hbm>> -> memref<4096xi32, #tpu.memory_space<hbm>>
      tpu.wait_dma2 semaphore(%run_scoped3A : memref<!tpu.dma_semaphore, #tpu.memory_space<semaphore_mem>>) src(%dma_wait3A_12 : memref<4096xi32, #tpu.memory_space<hbm>>) dst(%arg6 : memref<4096xi32, #tpu.memory_space<vmem>>)
      tpu.yield
    }) : () -> ()
    "tpu.region"() ({
      %run_scoped3A = tpu.sem_alloc : memref<!tpu.dma_semaphore, #tpu.memory_space<semaphore_mem>>
      tpu.enqueue_dma source(%arg3 : memref<512x16xf32, #tpu.memory_space<hbm>>) target(%arg7 : memref<512x16xf32, #tpu.memory_space<vmem>>) target_semaphore(%run_scoped3A : memref<!tpu.dma_semaphore, #tpu.memory_space<semaphore_mem>>)
      tpu.wait_dma2 semaphore(%run_scoped3A : memref<!tpu.dma_semaphore, #tpu.memory_space<semaphore_mem>>) src(%arg3 : memref<512x16xf32, #tpu.memory_space<hbm>>) dst(%arg7 : memref<512x16xf32, #tpu.memory_space<vmem>>)
      tpu.yield
    }) : () -> ()
    %eq3A = arith.constant 0 : i32
    %eq3A_3 = arith.cmpi eq, %arg1, %eq3A : i32
    %convert_element_type3A = arith.extui %eq3A_3 : i1 to i32
    %cond3A = arith.constant 0 : i32
    %cond3A_4 = arith.cmpi ne, %convert_element_type3A, %cond3A : i32
    scf.if %cond3A_4 {
      "tpu.region"() ({
        %run_scoped3A = tpu.sem_alloc : memref<!tpu.dma_semaphore, #tpu.memory_space<semaphore_mem>>
        tpu.enqueue_dma source(%arg4 : memref<1024x16xf32, #tpu.memory_space<hbm>>) target(%arg8 : memref<1024x16xf32, #tpu.memory_space<vmem_shared>>) target_semaphore(%run_scoped3A : memref<!tpu.dma_semaphore, #tpu.memory_space<semaphore_mem>>)
        tpu.wait_dma2 semaphore(%run_scoped3A : memref<!tpu.dma_semaphore, #tpu.memory_space<semaphore_mem>>) src(%arg4 : memref<1024x16xf32, #tpu.memory_space<hbm>>) dst(%arg8 : memref<1024x16xf32, #tpu.memory_space<vmem_shared>>)
        tpu.yield
      }) : () -> ()
    } else {
    }
    %barrier3A = arith.constant 0 : index
    tpu.barrier barrier_id(%barrier3A)
    "tpu.region"() ({
      %run_scoped3A = tpu.sem_alloc : memref<!tpu.dma_semaphore, #tpu.memory_space<semaphore_mem>>
      %dma_start3A = arith.constant 0 : i32
      %dma_start3A_11 = tpu.memref_slice %arg6[%dma_start3A] : memref<4096xi32, #tpu.memory_space<vmem>> -> memref<512xi32, #tpu.memory_space<vmem>>
      %dma_start3A_12 = arith.constant 0 : i32
      %dma_start3A_13 = arith.constant 0 : i32
      %dma_start3A_14 = tpu.memref_slice %arg8[%dma_start3A_12, %dma_start3A_13] : memref<1024x16xf32, #tpu.memory_space<vmem_shared>> -> memref<1024x16xf32, #tpu.memory_space<vmem_shared>>
      tpu.enqueue_indirect_dma source(%arg7 : memref<512x16xf32, #tpu.memory_space<vmem>>) target(%dma_start3A_14 : memref<1024x16xf32, #tpu.memory_space<vmem_shared>>) offsets(%dma_start3A_11 : memref<512xi32, #tpu.memory_space<vmem>>) semaphore(%run_scoped3A : memref<!tpu.dma_semaphore, #tpu.memory_space<semaphore_mem>>) {add = true}
      %dma_wait3A = arith.constant 0 : i32
      %dma_wait3A_15 = tpu.memref_slice %arg6[%dma_wait3A] : memref<4096xi32, #tpu.memory_space<vmem>> -> memref<512xi32, #tpu.memory_space<vmem>>
      %dma_wait3A_16 = arith.constant 0 : i32
      %dma_wait3A_17 = arith.constant 0 : i32
      %dma_wait3A_18 = tpu.memref_slice %arg8[%dma_wait3A_16, %dma_wait3A_17] : memref<1024x16xf32, #tpu.memory_space<vmem_shared>> -> memref<1024x16xf32, #tpu.memory_space<vmem_shared>>
      tpu.wait_indirect_dma semaphore(%run_scoped3A : memref<!tpu.dma_semaphore, #tpu.memory_space<semaphore_mem>>) src(%arg7 : memref<512x16xf32, #tpu.memory_space<vmem>>) dst(%dma_wait3A_18 : memref<1024x16xf32, #tpu.memory_space<vmem_shared>>)
      tpu.yield
    }) : () -> ()
    "tpu.region"() ({
      %run_scoped3A = tpu.sem_alloc : memref<!tpu.dma_semaphore, #tpu.memory_space<semaphore_mem>>
      %dma_start3A = arith.constant 512 : i32
      %dma_start3A_11 = tpu.memref_slice %arg6[%dma_start3A] : memref<4096xi32, #tpu.memory_space<vmem>> -> memref<512xi32, #tpu.memory_space<vmem>>
      %dma_start3A_12 = arith.constant 0 : i32
      %dma_start3A_13 = arith.constant 0 : i32
      %dma_start3A_14 = tpu.memref_slice %arg8[%dma_start3A_12, %dma_start3A_13] : memref<1024x16xf32, #tpu.memory_space<vmem_shared>> -> memref<1024x16xf32, #tpu.memory_space<vmem_shared>>
      tpu.enqueue_indirect_dma source(%arg7 : memref<512x16xf32, #tpu.memory_space<vmem>>) target(%dma_start3A_14 : memref<1024x16xf32, #tpu.memory_space<vmem_shared>>) offsets(%dma_start3A_11 : memref<512xi32, #tpu.memory_space<vmem>>) semaphore(%run_scoped3A : memref<!tpu.dma_semaphore, #tpu.memory_space<semaphore_mem>>) {add = true}
      %dma_wait3A = arith.constant 512 : i32
      %dma_wait3A_15 = tpu.memref_slice %arg6[%dma_wait3A] : memref<4096xi32, #tpu.memory_space<vmem>> -> memref<512xi32, #tpu.memory_space<vmem>>
      %dma_wait3A_16 = arith.constant 0 : i32
      %dma_wait3A_17 = arith.constant 0 : i32
      %dma_wait3A_18 = tpu.memref_slice %arg8[%dma_wait3A_16, %dma_wait3A_17] : memref<1024x16xf32, #tpu.memory_space<vmem_shared>> -> memref<1024x16xf32, #tpu.memory_space<vmem_shared>>
      tpu.wait_indirect_dma semaphore(%run_scoped3A : memref<!tpu.dma_semaphore, #tpu.memory_space<semaphore_mem>>) src(%arg7 : memref<512x16xf32, #tpu.memory_space<vmem>>) dst(%dma_wait3A_18 : memref<1024x16xf32, #tpu.memory_space<vmem_shared>>)
      tpu.yield
    }) : () -> ()
    "tpu.region"() ({
      %run_scoped3A = tpu.sem_alloc : memref<!tpu.dma_semaphore, #tpu.memory_space<semaphore_mem>>
      %dma_start3A = arith.constant 1024 : i32
      %dma_start3A_11 = tpu.memref_slice %arg6[%dma_start3A] : memref<4096xi32, #tpu.memory_space<vmem>> -> memref<512xi32, #tpu.memory_space<vmem>>
      %dma_start3A_12 = arith.constant 0 : i32
      %dma_start3A_13 = arith.constant 0 : i32
      %dma_start3A_14 = tpu.memref_slice %arg8[%dma_start3A_12, %dma_start3A_13] : memref<1024x16xf32, #tpu.memory_space<vmem_shared>> -> memref<1024x16xf32, #tpu.memory_space<vmem_shared>>
      tpu.enqueue_indirect_dma source(%arg7 : memref<512x16xf32, #tpu.memory_space<vmem>>) target(%dma_start3A_14 : memref<1024x16xf32, #tpu.memory_space<vmem_shared>>) offsets(%dma_start3A_11 : memref<512xi32, #tpu.memory_space<vmem>>) semaphore(%run_scoped3A : memref<!tpu.dma_semaphore, #tpu.memory_space<semaphore_mem>>) {add = true}
      %dma_wait3A = arith.constant 1024 : i32
      %dma_wait3A_15 = tpu.memref_slice %arg6[%dma_wait3A] : memref<4096xi32, #tpu.memory_space<vmem>> -> memref<512xi32, #tpu.memory_space<vmem>>
      %dma_wait3A_16 = arith.constant 0 : i32
      %dma_wait3A_17 = arith.constant 0 : i32
      %dma_wait3A_18 = tpu.memref_slice %arg8[%dma_wait3A_16, %dma_wait3A_17] : memref<1024x16xf32, #tpu.memory_space<vmem_shared>> -> memref<1024x16xf32, #tpu.memory_space<vmem_shared>>
      tpu.wait_indirect_dma semaphore(%run_scoped3A : memref<!tpu.dma_semaphore, #tpu.memory_space<semaphore_mem>>) src(%arg7 : memref<512x16xf32, #tpu.memory_space<vmem>>) dst(%dma_wait3A_18 : memref<1024x16xf32, #tpu.memory_space<vmem_shared>>)
      tpu.yield
    }) : () -> ()
    "tpu.region"() ({
      %run_scoped3A = tpu.sem_alloc : memref<!tpu.dma_semaphore, #tpu.memory_space<semaphore_mem>>
      %dma_start3A = arith.constant 1536 : i32
      %dma_start3A_11 = tpu.memref_slice %arg6[%dma_start3A] : memref<4096xi32, #tpu.memory_space<vmem>> -> memref<512xi32, #tpu.memory_space<vmem>>
      %dma_start3A_12 = arith.constant 0 : i32
      %dma_start3A_13 = arith.constant 0 : i32
      %dma_start3A_14 = tpu.memref_slice %arg8[%dma_start3A_12, %dma_start3A_13] : memref<1024x16xf32, #tpu.memory_space<vmem_shared>> -> memref<1024x16xf32, #tpu.memory_space<vmem_shared>>
      tpu.enqueue_indirect_dma source(%arg7 : memref<512x16xf32, #tpu.memory_space<vmem>>) target(%dma_start3A_14 : memref<1024x16xf32, #tpu.memory_space<vmem_shared>>) offsets(%dma_start3A_11 : memref<512xi32, #tpu.memory_space<vmem>>) semaphore(%run_scoped3A : memref<!tpu.dma_semaphore, #tpu.memory_space<semaphore_mem>>) {add = true}
      %dma_wait3A = arith.constant 1536 : i32
      %dma_wait3A_15 = tpu.memref_slice %arg6[%dma_wait3A] : memref<4096xi32, #tpu.memory_space<vmem>> -> memref<512xi32, #tpu.memory_space<vmem>>
      %dma_wait3A_16 = arith.constant 0 : i32
      %dma_wait3A_17 = arith.constant 0 : i32
      %dma_wait3A_18 = tpu.memref_slice %arg8[%dma_wait3A_16, %dma_wait3A_17] : memref<1024x16xf32, #tpu.memory_space<vmem_shared>> -> memref<1024x16xf32, #tpu.memory_space<vmem_shared>>
      tpu.wait_indirect_dma semaphore(%run_scoped3A : memref<!tpu.dma_semaphore, #tpu.memory_space<semaphore_mem>>) src(%arg7 : memref<512x16xf32, #tpu.memory_space<vmem>>) dst(%dma_wait3A_18 : memref<1024x16xf32, #tpu.memory_space<vmem_shared>>)
      tpu.yield
    }) : () -> ()
    "tpu.region"() ({
      %run_scoped3A = tpu.sem_alloc : memref<!tpu.dma_semaphore, #tpu.memory_space<semaphore_mem>>
      %dma_start3A = arith.constant 2048 : i32
      %dma_start3A_11 = tpu.memref_slice %arg6[%dma_start3A] : memref<4096xi32, #tpu.memory_space<vmem>> -> memref<512xi32, #tpu.memory_space<vmem>>
      %dma_start3A_12 = arith.constant 0 : i32
      %dma_start3A_13 = arith.constant 0 : i32
      %dma_start3A_14 = tpu.memref_slice %arg8[%dma_start3A_12, %dma_start3A_13] : memref<1024x16xf32, #tpu.memory_space<vmem_shared>> -> memref<1024x16xf32, #tpu.memory_space<vmem_shared>>
      tpu.enqueue_indirect_dma source(%arg7 : memref<512x16xf32, #tpu.memory_space<vmem>>) target(%dma_start3A_14 : memref<1024x16xf32, #tpu.memory_space<vmem_shared>>) offsets(%dma_start3A_11 : memref<512xi32, #tpu.memory_space<vmem>>) semaphore(%run_scoped3A : memref<!tpu.dma_semaphore, #tpu.memory_space<semaphore_mem>>) {add = true}
      %dma_wait3A = arith.constant 2048 : i32
      %dma_wait3A_15 = tpu.memref_slice %arg6[%dma_wait3A] : memref<4096xi32, #tpu.memory_space<vmem>> -> memref<512xi32, #tpu.memory_space<vmem>>
      %dma_wait3A_16 = arith.constant 0 : i32
      %dma_wait3A_17 = arith.constant 0 : i32
      %dma_wait3A_18 = tpu.memref_slice %arg8[%dma_wait3A_16, %dma_wait3A_17] : memref<1024x16xf32, #tpu.memory_space<vmem_shared>> -> memref<1024x16xf32, #tpu.memory_space<vmem_shared>>
      tpu.wait_indirect_dma semaphore(%run_scoped3A : memref<!tpu.dma_semaphore, #tpu.memory_space<semaphore_mem>>) src(%arg7 : memref<512x16xf32, #tpu.memory_space<vmem>>) dst(%dma_wait3A_18 : memref<1024x16xf32, #tpu.memory_space<vmem_shared>>)
      tpu.yield
    }) : () -> ()
    "tpu.region"() ({
      %run_scoped3A = tpu.sem_alloc : memref<!tpu.dma_semaphore, #tpu.memory_space<semaphore_mem>>
      %dma_start3A = arith.constant 2560 : i32
      %dma_start3A_11 = tpu.memref_slice %arg6[%dma_start3A] : memref<4096xi32, #tpu.memory_space<vmem>> -> memref<512xi32, #tpu.memory_space<vmem>>
      %dma_start3A_12 = arith.constant 0 : i32
      %dma_start3A_13 = arith.constant 0 : i32
      %dma_start3A_14 = tpu.memref_slice %arg8[%dma_start3A_12, %dma_start3A_13] : memref<1024x16xf32, #tpu.memory_space<vmem_shared>> -> memref<1024x16xf32, #tpu.memory_space<vmem_shared>>
      tpu.enqueue_indirect_dma source(%arg7 : memref<512x16xf32, #tpu.memory_space<vmem>>) target(%dma_start3A_14 : memref<1024x16xf32, #tpu.memory_space<vmem_shared>>) offsets(%dma_start3A_11 : memref<512xi32, #tpu.memory_space<vmem>>) semaphore(%run_scoped3A : memref<!tpu.dma_semaphore, #tpu.memory_space<semaphore_mem>>) {add = true}
      %dma_wait3A = arith.constant 2560 : i32
      %dma_wait3A_15 = tpu.memref_slice %arg6[%dma_wait3A] : memref<4096xi32, #tpu.memory_space<vmem>> -> memref<512xi32, #tpu.memory_space<vmem>>
      %dma_wait3A_16 = arith.constant 0 : i32
      %dma_wait3A_17 = arith.constant 0 : i32
      %dma_wait3A_18 = tpu.memref_slice %arg8[%dma_wait3A_16, %dma_wait3A_17] : memref<1024x16xf32, #tpu.memory_space<vmem_shared>> -> memref<1024x16xf32, #tpu.memory_space<vmem_shared>>
      tpu.wait_indirect_dma semaphore(%run_scoped3A : memref<!tpu.dma_semaphore, #tpu.memory_space<semaphore_mem>>) src(%arg7 : memref<512x16xf32, #tpu.memory_space<vmem>>) dst(%dma_wait3A_18 : memref<1024x16xf32, #tpu.memory_space<vmem_shared>>)
      tpu.yield
    }) : () -> ()
    "tpu.region"() ({
      %run_scoped3A = tpu.sem_alloc : memref<!tpu.dma_semaphore, #tpu.memory_space<semaphore_mem>>
      %dma_start3A = arith.constant 3072 : i32
      %dma_start3A_11 = tpu.memref_slice %arg6[%dma_start3A] : memref<4096xi32, #tpu.memory_space<vmem>> -> memref<512xi32, #tpu.memory_space<vmem>>
      %dma_start3A_12 = arith.constant 0 : i32
      %dma_start3A_13 = arith.constant 0 : i32
      %dma_start3A_14 = tpu.memref_slice %arg8[%dma_start3A_12, %dma_start3A_13] : memref<1024x16xf32, #tpu.memory_space<vmem_shared>> -> memref<1024x16xf32, #tpu.memory_space<vmem_shared>>
      tpu.enqueue_indirect_dma source(%arg7 : memref<512x16xf32, #tpu.memory_space<vmem>>) target(%dma_start3A_14 : memref<1024x16xf32, #tpu.memory_space<vmem_shared>>) offsets(%dma_start3A_11 : memref<512xi32, #tpu.memory_space<vmem>>) semaphore(%run_scoped3A : memref<!tpu.dma_semaphore, #tpu.memory_space<semaphore_mem>>) {add = true}
      %dma_wait3A = arith.constant 3072 : i32
      %dma_wait3A_15 = tpu.memref_slice %arg6[%dma_wait3A] : memref<4096xi32, #tpu.memory_space<vmem>> -> memref<512xi32, #tpu.memory_space<vmem>>
      %dma_wait3A_16 = arith.constant 0 : i32
      %dma_wait3A_17 = arith.constant 0 : i32
      %dma_wait3A_18 = tpu.memref_slice %arg8[%dma_wait3A_16, %dma_wait3A_17] : memref<1024x16xf32, #tpu.memory_space<vmem_shared>> -> memref<1024x16xf32, #tpu.memory_space<vmem_shared>>
      tpu.wait_indirect_dma semaphore(%run_scoped3A : memref<!tpu.dma_semaphore, #tpu.memory_space<semaphore_mem>>) src(%arg7 : memref<512x16xf32, #tpu.memory_space<vmem>>) dst(%dma_wait3A_18 : memref<1024x16xf32, #tpu.memory_space<vmem_shared>>)
      tpu.yield
    }) : () -> ()
    "tpu.region"() ({
      %run_scoped3A = tpu.sem_alloc : memref<!tpu.dma_semaphore, #tpu.memory_space<semaphore_mem>>
      %dma_start3A = arith.constant 3584 : i32
      %dma_start3A_11 = tpu.memref_slice %arg6[%dma_start3A] : memref<4096xi32, #tpu.memory_space<vmem>> -> memref<512xi32, #tpu.memory_space<vmem>>
      %dma_start3A_12 = arith.constant 0 : i32
      %dma_start3A_13 = arith.constant 0 : i32
      %dma_start3A_14 = tpu.memref_slice %arg8[%dma_start3A_12, %dma_start3A_13] : memref<1024x16xf32, #tpu.memory_space<vmem_shared>> -> memref<1024x16xf32, #tpu.memory_space<vmem_shared>>
      tpu.enqueue_indirect_dma source(%arg7 : memref<512x16xf32, #tpu.memory_space<vmem>>) target(%dma_start3A_14 : memref<1024x16xf32, #tpu.memory_space<vmem_shared>>) offsets(%dma_start3A_11 : memref<512xi32, #tpu.memory_space<vmem>>) semaphore(%run_scoped3A : memref<!tpu.dma_semaphore, #tpu.memory_space<semaphore_mem>>) {add = true}
      %dma_wait3A = arith.constant 3584 : i32
      %dma_wait3A_15 = tpu.memref_slice %arg6[%dma_wait3A] : memref<4096xi32, #tpu.memory_space<vmem>> -> memref<512xi32, #tpu.memory_space<vmem>>
      %dma_wait3A_16 = arith.constant 0 : i32
      %dma_wait3A_17 = arith.constant 0 : i32
      %dma_wait3A_18 = tpu.memref_slice %arg8[%dma_wait3A_16, %dma_wait3A_17] : memref<1024x16xf32, #tpu.memory_space<vmem_shared>> -> memref<1024x16xf32, #tpu.memory_space<vmem_shared>>
      tpu.wait_indirect_dma semaphore(%run_scoped3A : memref<!tpu.dma_semaphore, #tpu.memory_space<semaphore_mem>>) src(%arg7 : memref<512x16xf32, #tpu.memory_space<vmem>>) dst(%dma_wait3A_18 : memref<1024x16xf32, #tpu.memory_space<vmem_shared>>)
      tpu.yield
    }) : () -> ()
    %barrier3A_5 = arith.constant 0 : index
    tpu.barrier barrier_id(%barrier3A_5)
    %eq3A_6 = arith.constant 0 : i32
    %eq3A_7 = arith.cmpi eq, %arg1, %eq3A_6 : i32
    %convert_element_type3A_8 = arith.extui %eq3A_7 : i1 to i32
    %cond3A_9 = arith.constant 0 : i32
    %cond3A_10 = arith.cmpi ne, %convert_element_type3A_8, %cond3A_9 : i32
    scf.if %cond3A_10 {
      "tpu.region"() ({
        %run_scoped3A = tpu.sem_alloc : memref<!tpu.dma_semaphore, #tpu.memory_space<semaphore_mem>>
        %dma_start3A = arith.constant 0 : i32
        %dma_start3A_11 = arith.constant 0 : i32
        %dma_start3A_12 = tpu.memref_slice %arg5[%arg0, %dma_start3A, %dma_start3A_11] : memref<2x1024x16xf32, #tpu.memory_space<hbm>> -> memref<1x1024x16xf32, #tpu.memory_space<hbm>>
        %dma_start3A_13 = tpu.memref_squeeze %dma_start3A_12 : memref<1x1024x16xf32, #tpu.memory_space<hbm>> -> memref<1024x16xf32, #tpu.memory_space<hbm>>
        tpu.enqueue_dma source(%arg8 : memref<1024x16xf32, #tpu.memory_space<vmem_shared>>) target(%dma_start3A_13 : memref<1024x16xf32, #tpu.memory_space<hbm>>) target_semaphore(%run_scoped3A : memref<!tpu.dma_semaphore, #tpu.memory_space<semaphore_mem>>)
        %dma_wait3A = arith.constant 0 : i32
        %dma_wait3A_14 = arith.constant 0 : i32
        %dma_wait3A_15 = tpu.memref_slice %arg5[%arg0, %dma_wait3A, %dma_wait3A_14] : memref<2x1024x16xf32, #tpu.memory_space<hbm>> -> memref<1x1024x16xf32, #tpu.memory_space<hbm>>
        %dma_wait3A_16 = tpu.memref_squeeze %dma_wait3A_15 : memref<1x1024x16xf32, #tpu.memory_space<hbm>> -> memref<1024x16xf32, #tpu.memory_space<hbm>>
        tpu.wait_dma2 semaphore(%run_scoped3A : memref<!tpu.dma_semaphore, #tpu.memory_space<semaphore_mem>>) src(%arg8 : memref<1024x16xf32, #tpu.memory_space<vmem_shared>>) dst(%dma_wait3A_16 : memref<1024x16xf32, #tpu.memory_space<hbm>>)
        tpu.yield
      }) : () -> ()
    } else {
    }
    return
  }
}

module attributes {stable_mosaic.version = 14 : i64} {
  func.func @_combine_kernel(%arg0: memref<2x1024x16xf32, #tpu.memory_space<vmem>>, %arg1: memref<1x1xf32, #tpu.memory_space<vmem>>, %arg2: memref<1x32xf32, #tpu.memory_space<vmem>>, %arg3: memref<1x1xf32, #tpu.memory_space<vmem>>) attributes {dimension_semantics = [], scalar_prefetch = 0 : i64, scratch_operands = 0 : i64, tpu.core_type = #tpu.core_type<tc>} {
    %get3A = arith.constant 0 : index
    %get3A_0 = arith.constant 0 : index
    %get3A_1 = arith.constant 0 : index
    %get3A_2 = vector.load %arg0[%get3A, %get3A_0, %get3A_1] : memref<2x1024x16xf32, #tpu.memory_space<vmem>>, vector<1x1024x16xf32>
    %get3A_3 = vector.shape_cast %get3A_2 : vector<1x1024x16xf32> to vector<1024x16xf32>
    %get3A_4 = arith.constant 1 : index
    %get3A_5 = arith.constant 0 : index
    %get3A_6 = arith.constant 0 : index
    %get3A_7 = vector.load %arg0[%get3A_4, %get3A_5, %get3A_6] : memref<2x1024x16xf32, #tpu.memory_space<vmem>>, vector<1x1024x16xf32>
    %get3A_8 = vector.shape_cast %get3A_7 : vector<1x1024x16xf32> to vector<1024x16xf32>
    %add3A = arith.addf %get3A_3, %get3A_8 : vector<1024x16xf32>
    %slice3A = vector.extract_strided_slice %add3A {offsets = [0, 0], sizes = [1024, 1], strides = [1, 1]} : vector<1024x16xf32> to vector<1024x1xf32>
    %reshape3A = vector.shape_cast %slice3A : vector<1024x1xf32> to vector<32x32xf32>
    %iota3A = tpu.iota {dimensions = array<i32: 0>} : vector<32x32xi32>
    %iota3A_9 = tpu.iota {dimensions = array<i32: 1>} : vector<32x32xi32>
    %eq3A = arith.cmpi eq, %iota3A, %iota3A_9 : vector<32x32xi32>
    %jit3A = arith.constant 0.000000e+00 : f32
    %broadcast_in_dim3A = vector.broadcast %jit3A : f32 to vector<32x32xf32>
    %select_n3A = arith.select %eq3A, %reshape3A, %broadcast_in_dim3A : vector<32x32xi1>, vector<32x32xf32>
    %reduce_sum3A = arith.constant dense<0.000000e+00> : vector<32xf32>
    %reduce_sum3A_10 = vector.multi_reduction <add>, %select_n3A, %reduce_sum3A [0] : vector<32x32xf32> to vector<32xf32>
    %broadcast_in_dim3A_11 = vector.shape_cast %reduce_sum3A_10 : vector<32xf32> to vector<1x32xf32>
    %transpose3A = tpu.transpose %reshape3A, [1, 0] : vector<32x32xf32> -> vector<32x32xf32>
    %reduce_sum3A_12 = arith.constant dense<0.000000e+00> : vector<32xf32>
    %reduce_sum3A_13 = vector.multi_reduction <add>, %transpose3A, %reduce_sum3A_12 [0] : vector<32x32xf32> to vector<32xf32>
    %broadcast_in_dim3A_14 = vector.shape_cast %reduce_sum3A_13 : vector<32xf32> to vector<1x32xf32>
    %reduce_sum3A_15 = arith.constant dense<0.000000e+00> : vector<32xf32>
    %reduce_sum3A_16 = vector.multi_reduction <add>, %reshape3A, %reduce_sum3A_15 [0] : vector<32x32xf32> to vector<32xf32>
    %broadcast_in_dim3A_17 = vector.shape_cast %reduce_sum3A_16 : vector<32xf32> to vector<1x32xf32>
    %add3A_18 = arith.addf %broadcast_in_dim3A_14, %broadcast_in_dim3A_17 : vector<1x32xf32>
    %sub3A = arith.subf %add3A_18, %broadcast_in_dim3A_11 : vector<1x32xf32>
    %add3A_19 = arith.constant 9.99999993E-9 : f32
    %add3A_20 = vector.broadcast %add3A_19 : f32 to vector<1x32xf32>
    %add3A_21 = arith.addf %broadcast_in_dim3A_11, %add3A_20 : vector<1x32xf32>
    %add3A_22 = arith.constant 9.99999993E-9 : f32
    %add3A_23 = vector.broadcast %add3A_22 : f32 to vector<1x32xf32>
    %add3A_24 = arith.addf %sub3A, %add3A_23 : vector<1x32xf32>
    %div3A = arith.divf %add3A_21, %add3A_24 : vector<1x32xf32>
    %sub3A_25 = arith.constant 1.000000e+00 : f32
    %sub3A_26 = vector.broadcast %sub3A_25 : f32 to vector<1x32xf32>
    %sub3A_27 = arith.subf %sub3A_26, %div3A : vector<1x32xf32>
    %get3A_28 = arith.constant 0 : index
    %get3A_29 = arith.constant 0 : index
    %get3A_30 = vector.load %arg2[%get3A_28, %get3A_29] : memref<1x32xf32, #tpu.memory_space<vmem>>, vector<1x32xf32>
    %mul3A = arith.mulf %sub3A_27, %get3A_30 : vector<1x32xf32>
    %reduce_sum3A_31 = vector.shape_cast %mul3A : vector<1x32xf32> to vector<1x1x32xf32>
    %reduce_sum3A_32 = arith.constant dense<0.000000e+00> : vector<1xf32>
    %reduce_sum3A_33 = vector.multi_reduction <add>, %reduce_sum3A_31, %reduce_sum3A_32 [1, 2] : vector<1x1x32xf32> to vector<1xf32>
    %reduce_sum3A_34 = vector.shape_cast %reduce_sum3A_33 : vector<1xf32> to vector<1x1x1xf32>
    %reduce_sum3A_35 = vector.extract %reduce_sum3A_34[0, 0, 0] : f32 from vector<1x1x1xf32>
    %div3A_36 = arith.constant 3.200000e+01 : f32
    %div3A_37 = arith.divf %reduce_sum3A_35, %div3A_36 : f32
    %get3A_38 = arith.constant 0 : index
    %get3A_39 = arith.constant 0 : index
    %get3A_40 = vector.load %arg1[%get3A_38, %get3A_39] : memref<1x1xf32, #tpu.memory_space<vmem>>, vector<1x1xf32>
    %get3A_41 = vector.extract %get3A_40[0, 0] : f32 from vector<1x1xf32>
    %div3A_42 = arith.constant 1.310720e+05 : f32
    %div3A_43 = arith.divf %get3A_41, %div3A_42 : f32
    %mul3A_44 = arith.constant 1.000000e+00 : f32
    %mul3A_45 = arith.mulf %div3A_43, %mul3A_44 : f32
    %mul3A_46 = arith.constant 5.000000e-01 : f32
    %mul3A_47 = arith.mulf %div3A_37, %mul3A_46 : f32
    %add3A_48 = arith.addf %mul3A_45, %mul3A_47 : f32
    %broadcast_in_dim3A_49 = vector.broadcast %add3A_48 : f32 to vector<1x1xf32>
    %swap3A = arith.constant 0 : index
    %swap3A_50 = arith.constant 0 : index
    %swap3A_51 = vector.load %arg3[%swap3A, %swap3A_50] : memref<1x1xf32, #tpu.memory_space<vmem>>, vector<1x1xf32>
    tpu.vector_store %arg3[%swap3A, %swap3A_50], %broadcast_in_dim3A_49 {strides = array<i32>} : memref<1x1xf32, #tpu.memory_space<vmem>>, vector<1x1xf32>,
    return
  }
}

module attributes {stable_mosaic.version = 14 : i64} {
  func.func @_tc_kernel(%arg0: i32, %arg1: memref<32x32768xf32, #tpu.memory_space<vmem>>, %arg2: memref<32x32768xf32, #tpu.memory_space<vmem>>, %arg3: memref<32x1xf32, #tpu.memory_space<vmem>>, %arg4: memref<1x1xf32, #tpu.memory_space<vmem>>, %arg5: memref<1x32768xi32, #tpu.memory_space<vmem>>, %arg6: memref<1x1xf32, #tpu.memory_space<smem>>) attributes {dimension_semantics = [#tpu.dimension_semantics<arbitrary>], iteration_bounds = array<i64: 4>, scalar_prefetch = 0 : i64, scratch_operands = 1 : i64, tpu.core_type = #tpu.core_type<tc>, window_params = [{transform_indices = @transform_0, window_bounds = array<i64: 32, 32768>}, {transform_indices = @transform_1, window_bounds = array<i64: 32, 32768>}, {pipeline_mode = #tpu.pipeline_mode<synchronous>, transform_indices = @transform_2, window_bounds = array<i64: 32, 1>}, {pipeline_mode = #tpu.pipeline_mode<synchronous>, transform_indices = @transform_3, window_bounds = array<i64: 1, 1>}, {transform_indices = @transform_4, window_bounds = array<i64: 1, 32768>}]} {
    %eq3A = arith.constant 0 : i32
    %eq3A_0 = arith.cmpi eq, %arg0, %eq3A : i32
    %convert_element_type3A = arith.extui %eq3A_0 : i1 to i32
    %cond3A = arith.constant 0 : i32
    %cond3A_1 = arith.cmpi ne, %convert_element_type3A, %cond3A : i32
    scf.if %cond3A_1 {
      %swap3A_73 = arith.constant 0.000000e+00 : f32
      %swap3A_74 = arith.constant 0 : index
      %swap3A_75 = arith.constant 0 : index
      %swap3A_76 = memref.load %arg6[%swap3A_74, %swap3A_75] : memref<1x1xf32, #tpu.memory_space<smem>>
      memref.store %swap3A_73, %arg6[%swap3A_74, %swap3A_75] : memref<1x1xf32, #tpu.memory_space<smem>>
    } else {
    }
    %get3A = arith.constant 0 : index
    %get3A_2 = arith.constant 0 : index
    %get3A_3 = vector.load %arg1[%get3A, %get3A_2] : memref<32x32768xf32, #tpu.memory_space<vmem>>, vector<32x32768xf32>
    %get3A_4 = arith.constant 0 : index
    %get3A_5 = arith.constant 0 : index
    %get3A_6 = vector.load %arg2[%get3A_4, %get3A_5] : memref<32x32768xf32, #tpu.memory_space<vmem>>, vector<32x32768xf32>
    %get3A_7 = arith.constant 0 : index
    %get3A_8 = arith.constant 0 : index
    %get3A_9 = vector.load %arg3[%get3A_7, %get3A_8] : memref<32x1xf32, #tpu.memory_space<vmem>>, vector<32x1xf32>
    %broadcast_in_dim3A = arith.constant 1.000000e+00 : f32
    %broadcast_in_dim3A_10 = vector.broadcast %broadcast_in_dim3A : f32 to vector<8x32xf32>
    %exp3A = math.exp %get3A_3 : vector<32x32768xf32>
    %dot_general3A = arith.constant dense<0.000000e+00> : vector<8x32768xf32>
    %dot_general3A_11 = tpu.matmul %broadcast_in_dim3A_10, %exp3A, %dot_general3A {dimension_numbers = #tpu.dot_dimension_numbers<[1], [0], [0], [1], [0, 0, 1, 1], [], []>, transpose_lhs_hint = false} : vector<8x32xf32>, vector<32x32768xf32>, vector<8x32768xf32> -> vector<8x32768xf32>
    %slice3A = vector.extract_strided_slice %dot_general3A_11 {offsets = [0, 0], sizes = [1, 32768], strides = [1, 1]} : vector<8x32768xf32> to vector<1x32768xf32>
    %div3A = vector.broadcast %slice3A : vector<1x32768xf32> to vector<32x32768xf32>
    %div3A_12 = arith.divf %exp3A, %div3A : vector<32x32768xf32>
    %exp3A_13 = math.exp %div3A_12 : vector<32x32768xf32>
    %dot_general3A_14 = arith.constant dense<0.000000e+00> : vector<8x32768xf32>
    %dot_general3A_15 = tpu.matmul %broadcast_in_dim3A_10, %exp3A_13, %dot_general3A_14 {dimension_numbers = #tpu.dot_dimension_numbers<[1], [0], [0], [1], [0, 0, 1, 1], [], []>, transpose_lhs_hint = false} : vector<8x32xf32>, vector<32x32768xf32>, vector<8x32768xf32> -> vector<8x32768xf32>
    %slice3A_16 = vector.extract_strided_slice %dot_general3A_15 {offsets = [0, 0], sizes = [1, 32768], strides = [1, 1]} : vector<8x32768xf32> to vector<1x32768xf32>
    %log3A = math.log %slice3A_16 : vector<1x32768xf32>
    %mul3A = vector.broadcast %get3A_9 : vector<32x1xf32> to vector<32x32768xf32>
    %mul3A_17 = arith.mulf %get3A_6, %mul3A : vector<32x32768xf32>
    %dot_general3A_18 = arith.constant dense<0.000000e+00> : vector<8x32768xf32>
    %dot_general3A_19 = tpu.matmul %broadcast_in_dim3A_10, %mul3A_17, %dot_general3A_18 {dimension_numbers = #tpu.dot_dimension_numbers<[1], [0], [0], [1], [0, 0, 1, 1], [], []>, transpose_lhs_hint = false} : vector<8x32xf32>, vector<32x32768xf32>, vector<8x32768xf32> -> vector<8x32768xf32>
    %slice3A_20 = vector.extract_strided_slice %dot_general3A_19 {offsets = [0, 0], sizes = [1, 32768], strides = [1, 1]} : vector<8x32768xf32> to vector<1x32768xf32>
    %get3A_21 = arith.constant 0 : index
    %get3A_22 = arith.constant 0 : index
    %get3A_23 = memref.load %arg6[%get3A_21, %get3A_22] : memref<1x1xf32, #tpu.memory_space<smem>>
    %mul3A_24 = arith.mulf %log3A, %slice3A_20 : vector<1x32768xf32>
    %reduce_sum3A = vector.shape_cast %mul3A_24 : vector<1x32768xf32> to vector<1x1x32768xf32>
    %reduce_sum3A_25 = arith.constant dense<0.000000e+00> : vector<1xf32>
    %reduce_sum3A_26 = vector.multi_reduction <add>, %reduce_sum3A, %reduce_sum3A_25 [1, 2] : vector<1x1x32768xf32> to vector<1xf32>
    %reduce_sum3A_27 = vector.shape_cast %reduce_sum3A_26 : vector<1xf32> to vector<1x1x1xf32>
    %reduce_sum3A_28 = vector.extract %reduce_sum3A_27[0, 0, 0] : f32 from vector<1x1x1xf32>
    %mul3A_29 = arith.mulf %mul3A_17, %div3A_12 : vector<32x32768xf32>
    %reduce_sum3A_30 = vector.shape_cast %mul3A_29 : vector<32x32768xf32> to vector<1x32x32768xf32>
    %reduce_sum3A_31 = arith.constant dense<0.000000e+00> : vector<1xf32>
    %reduce_sum3A_32 = vector.multi_reduction <add>, %reduce_sum3A_30, %reduce_sum3A_31 [1, 2] : vector<1x32x32768xf32> to vector<1xf32>
    %reduce_sum3A_33 = vector.shape_cast %reduce_sum3A_32 : vector<1xf32> to vector<1x1x1xf32>
    %reduce_sum3A_34 = vector.extract %reduce_sum3A_33[0, 0, 0] : f32 from vector<1x1x1xf32>
    %sub3A = arith.subf %reduce_sum3A_28, %reduce_sum3A_34 : f32
    %add3A = arith.addf %get3A_23, %sub3A : f32
    %swap3A = arith.constant 0 : index
    %swap3A_35 = arith.constant 0 : index
    %swap3A_36 = memref.load %arg6[%swap3A, %swap3A_35] : memref<1x1xf32, #tpu.memory_space<smem>>
    memref.store %add3A, %arg6[%swap3A, %swap3A_35] : memref<1x1xf32, #tpu.memory_space<smem>>
    %reduce_max3A = arith.constant dense<0xFF800000> : vector<32768xf32>
    %reduce_max3A_37 = vector.multi_reduction <maximumf>, %get3A_3, %reduce_max3A [0] : vector<32x32768xf32> to vector<32768xf32>
    %broadcast_in_dim3A_38 = vector.shape_cast %reduce_max3A_37 : vector<32768xf32> to vector<1x32768xf32>
    %reduce_max3A_39 = arith.constant dense<0xFF800000> : vector<32768xf32>
    %reduce_max3A_40 = vector.multi_reduction <maximumf>, %get3A_6, %reduce_max3A_39 [0] : vector<32x32768xf32> to vector<32768xf32>
    %broadcast_in_dim3A_41 = vector.shape_cast %reduce_max3A_40 : vector<32768xf32> to vector<1x32768xf32>
    %eq3A_42 = vector.broadcast %broadcast_in_dim3A_38 : vector<1x32768xf32> to vector<32x32768xf32>
    %eq3A_43 = arith.cmpf oeq, %get3A_3, %eq3A_42 : vector<32x32768xf32>
    %convert_element_type3A_44 = arith.extui %eq3A_43 : vector<32x32768xi1> to vector<32x32768xi32>
    %convert_element_type3A_45 = arith.sitofp %convert_element_type3A_44 : vector<32x32768xi32> to vector<32x32768xf32>
    %eq3A_46 = vector.broadcast %broadcast_in_dim3A_41 : vector<1x32768xf32> to vector<32x32768xf32>
    %eq3A_47 = arith.cmpf oeq, %get3A_6, %eq3A_46 : vector<32x32768xf32>
    %convert_element_type3A_48 = arith.extui %eq3A_47 : vector<32x32768xi1> to vector<32x32768xi32>
    %convert_element_type3A_49 = arith.sitofp %convert_element_type3A_48 : vector<32x32768xi32> to vector<32x32768xf32>
    %iota3A = tpu.iota {dimensions = array<i32: 1>} : vector<8x32xi32>
    %convert_element_type3A_50 = arith.sitofp %iota3A : vector<8x32xi32> to vector<8x32xf32>
    %dot_general3A_51 = arith.constant dense<0.000000e+00> : vector<8x32768xf32>
    %dot_general3A_52 = tpu.matmul %convert_element_type3A_50, %convert_element_type3A_45, %dot_general3A_51 {dimension_numbers = #tpu.dot_dimension_numbers<[1], [0], [0], [1], [0, 0, 1, 1], [], []>, transpose_lhs_hint = false} : vector<8x32xf32>, vector<32x32768xf32>, vector<8x32768xf32> -> vector<8x32768xf32>
    %slice3A_53 = vector.extract_strided_slice %dot_general3A_52 {offsets = [0, 0], sizes = [1, 32768], strides = [1, 1]} : vector<8x32768xf32> to vector<1x32768xf32>
    %dot_general3A_54 = arith.constant dense<0.000000e+00> : vector<8x32768xf32>
    %dot_general3A_55 = tpu.matmul %convert_element_type3A_50, %convert_element_type3A_49, %dot_general3A_54 {dimension_numbers = #tpu.dot_dimension_numbers<[1], [0], [0], [1], [0, 0, 1, 1], [], []>, transpose_lhs_hint = false} : vector<8x32xf32>, vector<32x32768xf32>, vector<8x32768xf32> -> vector<8x32768xf32>
    %slice3A_56 = vector.extract_strided_slice %dot_general3A_55 {offsets = [0, 0], sizes = [1, 32768], strides = [1, 1]} : vector<8x32768xf32> to vector<1x32768xf32>
    %mul3A_57 = arith.constant 3.200000e+01 : f32
    %mul3A_58 = vector.broadcast %mul3A_57 : f32 to vector<1x32768xf32>
    %mul3A_59 = arith.mulf %slice3A_56, %mul3A_58 : vector<1x32768xf32>
    %add3A_60 = arith.addf %mul3A_59, %slice3A_53 : vector<1x32768xf32>
    %jit3A = arith.constant 0.000000e+00 : f32
    %jit3A_61 = arith.constant 1.023000e+03 : f32
    %max3A = vector.broadcast %jit3A : f32 to vector<1x32768xf32>
    %max3A_62 = arith.maximumf %max3A, %add3A_60 : vector<1x32768xf32>
    %min3A = vector.broadcast %jit3A_61 : f32 to vector<1x32768xf32>
    %min3A_63 = arith.minimumf %min3A, %max3A_62 : vector<1x32768xf32>
    %convert_element_type3A_64 = arith.fptosi %min3A_63 : vector<1x32768xf32> to vector<1x32768xi32>
    %swap3A_65 = arith.constant 0 : index
    %swap3A_66 = arith.constant 0 : index
    %swap3A_67 = vector.load %arg5[%swap3A_65, %swap3A_66] : memref<1x32768xi32, #tpu.memory_space<vmem>>, vector<1x32768xi32>
    tpu.vector_store %arg5[%swap3A_65, %swap3A_66], %convert_element_type3A_64 {strides = array<i32>} : memref<1x32768xi32, #tpu.memory_space<vmem>>, vector<1x32768xi32>,
    %eq3A_68 = arith.constant 3 : i32
    %eq3A_69 = arith.cmpi eq, %arg0, %eq3A_68 : i32
    %convert_element_type3A_70 = arith.extui %eq3A_69 : i1 to i32
    %cond3A_71 = arith.constant 0 : i32
    %cond3A_72 = arith.cmpi ne, %convert_element_type3A_70, %cond3A_71 : i32
    scf.if %cond3A_72 {
      %get3A_73 = arith.constant 0 : index
      %get3A_74 = arith.constant 0 : index
      %get3A_75 = memref.load %arg6[%get3A_73, %get3A_74] : memref<1x1xf32, #tpu.memory_space<smem>>
      %broadcast_in_dim3A_76 = vector.broadcast %get3A_75 : f32 to vector<1x1xf32>
      %swap3A_77 = arith.constant 0 : index
      %swap3A_78 = arith.constant 0 : index
      %swap3A_79 = vector.load %arg4[%swap3A_77, %swap3A_78] : memref<1x1xf32, #tpu.memory_space<vmem>>, vector<1x1xf32>
      tpu.vector_store %arg4[%swap3A_77, %swap3A_78], %broadcast_in_dim3A_76 {strides = array<i32>} : memref<1x1xf32, #tpu.memory_space<vmem>>, vector<1x1xf32>,
    } else {
    }
    return
  }
  func.func @transform_0(%arg0: i32) -> (i32, i32) {
    %c0_i32 = arith.constant 0 : i32
    %c0_i32_0 = arith.constant 0 : i32
    return %c0_i32, %arg0 : i32, i32
  }
  func.func @transform_1(%arg0: i32) -> (i32, i32) {
    %c0_i32 = arith.constant 0 : i32
    %c0_i32_0 = arith.constant 0 : i32
    return %c0_i32, %arg0 : i32, i32
  }
  func.func @transform_2(%arg0: i32) -> (i32, i32) {
    %c0_i32 = arith.constant 0 : i32
    %c0_i32_0 = arith.constant 0 : i32
    %c0_i32_1 = arith.constant 0 : i32
    return %c0_i32, %c0_i32_0 : i32, i32
  }
  func.func @transform_3(%arg0: i32) -> (i32, i32) {
    %c0_i32 = arith.constant 0 : i32
    %c0_i32_0 = arith.constant 0 : i32
    %c0_i32_1 = arith.constant 0 : i32
    return %c0_i32, %c0_i32_0 : i32, i32
  }
  func.func @transform_4(%arg0: i32) -> (i32, i32) {
    %c0_i32 = arith.constant 0 : i32
    %c0_i32_0 = arith.constant 0 : i32
    return %c0_i32, %arg0 : i32, i32
  }
}

</mosaic_0001>

<sc_bundles>
// kernel: kernel.5.cloned.1.call-start
scs
__scs_entry_jumppad:
0x0: {  	(pc) =	sbr.rel $0x88, $3  }
0x1: {  	(tag) =	ssettag $0x0;
	lr =	simm.s32 $0x1  }
0x2: {  	[smem:$0x3F9E] =	sst lr;
	_ =	strace $0xD0000000  }
0x3: {  	_ = 	snop  }
0x4: {  	_ = 	snop  }
0x5: {  	_ = 	snop  }
0x6: {  	_ = 	snop  }
0x7: {  	_ = 	snop  }
__scs_overlays_trampoline_lowered:
0x8: {  	[smem:$0x3FAD] =	sst s0  }
0x9: {  	[smem:$0x3FAE] =	sst s1  }
0xa: {  	[smem:$0x3FAF] =	sst s2  }
0xb: {  	[smem:$0x3FB0] =	sst s3  }
0xc: {  	[smem:$0x3FB1] =	sst s4  }
0xd: {  	[smem:$0x3FB2] =	sst s5  }
0xe: {  	[smem:$0x3FB3] =	sst s6  }
0xf: {  	[smem:$0x3FB4] =	sst s7  }
0x10: {  	[smem:$0x3FB5] =	sst s8  }
0x11: {  	[smem:$0x3FB6] =	sst s9;
	s0 =	simm.s32 @!p0 $0x0  }
0x12: {  	s1 =	sld [smem:$0x3F9C];
	s0 =	simm.s32 @p0 $0x1  }
0x13: {  	[smem:$0x3FB7] =	sst s0;
	s0 =	simm.s32 @!p1 $0x0  }
0x14: {  	s2 =	sld [smem:$0x3F9B];
	s0 =	simm.s32 @p1 $0x1  }
0x15: {  	[smem:$0x3FB8] =	sst s0;
	s0 =	simm.s32 @!p2 $0x0  }
0x16: {  	s3 =	sld [smem:$0x3FDB];
	s0 =	simm.s32 @p2 $0x1  }
0x17: {  	s4 =	simm.s32 $0x1BF5;
	[smem:$0x3FBA] =	sst s0  }
0x18: {  	s0 =	sld [smem:$0x3F9D];
	_ =	swait.ge [sflag:s4], $0x0  }
0x19: {  	s7 =	sld [smem:$0x3F9E]  }
0x1a: {  	s8 =	sadd.s32 $0xFFFFE003, lr  }
0x1b: {  	s9 =	sadd.s32 $0xFFFFFEF7, lr;
	s5 =	simm.s32 $0xFFFFFFFF;
	p2 =	slt.u32 s8, $0xFFFFF086  }
0x1c: {  	p1 =	slt.u32 s9, $0xF7A;
	s5 =	simm.s32 @!p2 $0x0  }
0x1d: {  	s5 =	simm.s32 @p1 $0x1;
	p0 =	seq.s32 s7, s2  }
0x1e: {  	s7 =	smul.u32 @!p0 $0xF7A, s2;
	p2 =	seq.s32 @!p0 s5, $0x0  }
0x1f: {  	s9 =	smul.u32 $0xF7A, s1;
	s8 =	simm.s32 @!p0 $0x1BF5;
	p2 =	por !p2, p0  }
0x20: {  	[sflag:s8] =	ssyncset.s32 @!p0 $0xFFFFF086;
	s6 =	sadd.s32 @!p0 s3, s7;
	s7 =	simm.s32 @!p0 $0x108  }
0x21: {  	s3 =	sadd.s32 s3, s9;
	s6 =	sadd.s32 @!p0 $0x88, s6;
	s7 =	simm.s32 @p2 $0x1082  }
0x22: {  	[simem:s7], [sflag:s8] =	dma.local @!p0 [hbm:s6], $0xF7A  }
0x23: {  	s9 =	sor.u32 $0xD0000000, s2;
	s6 =	simm.s32 $0x108;
	_ =	swait.ge @!p0 [sflag:s8], $0x0  }
0x24: {  	s3 =	sadd.s32 $0x88, s3;
	s6 =	simm.s32 @!p1 $0x1082;
	[sflag:s4] =	ssyncset.s32 $0xFFFFF086  }
0x25: {  	[simem:s6], [sflag:s4] =	dma.local [hbm:s3], $0xF7A  }
0x26: {  	[smem:$0x3F9E] =	sst s1;
	(tag) =	ssettag s2;
	_ =	strace s9  }
0x27: {  	s1 =	sld [smem:$0x3FAE]  }
0x28: {  	s2 =	sld [smem:$0x3FAF]  }
0x29: {  	s4 =	sld [smem:$0x3FB1]  }
0x2a: {  	p0 =	seq.s32 s5, $0x0;
	s5 =	sld [smem:$0x3FB2]  }
0x2b: {  	s6 =	sld [smem:$0x3FB3]  }
0x2c: {  	s7 =	sld [smem:$0x3FB4]  }
0x2d: {  	s3 =	simm.s32 $0x108;
	s8 =	sld [smem:$0x3FB5]  }
0x2e: {  	s3 =	simm.s32 @!p0 $0x1082;
	s9 =	sld [smem:$0x3FB6]  }
0x2f: {  	lr =	sadd.s32 s0, s3;
	s0 =	sld [smem:$0x3FAD]  }
0x30: {  	s3 =	sld [smem:$0x3FB0]  }
0x31: {  	[smem:$0x3FB9] =	sst s10  }
0x32: {  	s10 =	sld [smem:$0x3FB7];
	_ =	sdelay $0x3  }
0x33: {  	p0 =	seq.s32 s10, $0x1;
	s10 =	sld [smem:$0x3FB9];
	_ =	sdelay $0x3  }
0x34: {  	[smem:$0x3FB9] =	sst s10  }
0x35: {  	s10 =	sld [smem:$0x3FB8];
	_ =	sdelay $0x3  }
0x36: {  	p1 =	seq.s32 s10, $0x1;
	s10 =	sld [smem:$0x3FB9];
	_ =	sdelay $0x3  }
0x37: {  	[smem:$0x3FB9] =	sst s10  }
0x38: {  	s10 =	sld [smem:$0x3FBA]  }
0x39: {  	_ = 	snop;
	(pc) =	sbr.ind lr, $3  }
0x3a: {  	_ = 	snop  }
0x3b: {  	_ = 	snop  }
0x3c: {  	p2 =	seq.s32 s10, $0x1;
	s10 =	sld [smem:$0x3FB9]  }
0x3d: {  	_ =	shalt  }
0x3e: {  	_ =	shalt  }
0x3f: {  	_ =	shalt  }
0x40: {  	_ =	shalt  }
0x41: {  	_ =	shalt  }
0x42: {  	_ =	shalt  }
0x43: {  	_ =	shalt  }
0x44: {  	_ =	shalt  }
0x45: {  	_ =	shalt  }
0x46: {  	_ =	shalt  }
0x47: {  	_ =	shalt  }
0x48: {  	_ =	shalt  }
0x49: {  	_ =	shalt  }
0x4a: {  	_ =	shalt  }
0x4b: {  	_ =	shalt  }
0x4c: {  	_ =	shalt  }
0x4d: {  	_ =	shalt  }
0x4e: {  	_ =	shalt  }
0x4f: {  	_ =	shalt  }
0x50: {  	_ =	shalt  }
0x51: {  	_ =	shalt  }
0x52: {  	_ =	shalt  }
0x53: {  	_ =	shalt  }
0x54: {  	_ =	shalt  }
0x55: {  	_ =	shalt  }
0x56: {  	_ =	shalt  }
0x57: {  	_ =	shalt  }
0x58: {  	_ =	shalt  }
0x59: {  	_ =	shalt  }
0x5a: {  	_ =	shalt  }
0x5b: {  	_ =	shalt  }
0x5c: {  	_ =	shalt  }
0x5d: {  	_ =	shalt  }
0x5e: {  	_ =	shalt  }
0x5f: {  	_ =	shalt  }
0x60: {  	_ =	shalt  }
0x61: {  	_ =	shalt  }
0x62: {  	_ =	shalt  }
0x63: {  	_ =	shalt  }
0x64: {  	_ =	shalt  }
0x65: {  	_ =	shalt  }
0x66: {  	_ =	shalt  }
0x67: {  	_ =	shalt  }
0x68: {  	_ =	shalt  }
0x69: {  	_ =	shalt  }
0x6a: {  	_ =	shalt  }
0x6b: {  	_ =	shalt  }
0x6c: {  	_ =	shalt  }
0x6d: {  	_ =	shalt  }
0x6e: {  	_ =	shalt  }
0x6f: {  	_ =	shalt  }
0x70: {  	_ =	shalt  }
0x71: {  	_ =	shalt  }
0x72: {  	_ =	shalt  }
0x73: {  	_ =	shalt  }
0x74: {  	_ =	shalt  }
0x75: {  	_ =	shalt  }
0x76: {  	_ =	shalt  }
0x77: {  	_ =	shalt  }
0x78: {  	_ =	shalt  }
0x79: {  	_ =	shalt  }
0x7a: {  	_ =	shalt  }
0x7b: {  	_ =	shalt  }
0x7c: {  	_ =	shalt  }
0x7d: {  	_ =	shalt  }
0x7e: {  	_ =	shalt  }
0x7f: {  	_ =	shalt  }
0x80: {  	_ =	shalt  }
0x81: {  	_ =	shalt  }
0x82: {  	_ =	shalt  }
0x83: {  	_ =	shalt  }
0x84: {  	_ =	shalt  }
0x85: {  	_ =	shalt  }
0x86: {  	_ =	shalt  }
0x87: {  	_ =	shalt  }
.Lfunc_end0:
.L_simem_size_0:
called_computation_lowered:
.L_overlay_start_0:
0x88: {  	s2 =	sld [smem:$0x3FD9]  }
0x89: {  	s3 =	sld [smem:$0x3FFE];
	_ =	sdelay $0x1  }
0x8a: {  	s1 =	srdreg.scid  }
0x8b: {  	s0 =	sand.u32 $0x1, s1  }
0x8c: {  	s16 =	sshll.u32 s0, $0xA;
	s2 =	sadd.s32 s3, s2  }
0x8d: {  	s2 =	sadd.s32 s2, s16  }
0x8e: {  	[smem:$0x3FC5] =	sst s2  }
0x8f: {  	_ = 	snop  }
0x90: {  	(tm) =	ssettm $0x1  }
0x91: {  	s17 =	sld [smem:$0x3FFB];
	_ =	sdelay $0x3  }
0x92: {  	_ =	strace s17  }
0x93: {  	s2 =	sld [smem:$0x3FFC];
	_ =	sdelay $0x3  }
0x94: {  	_ =	strace s2  }
0x95: {  	s2 =	sld [smem:$0x3FFD];
	_ =	sdelay $0x3  }
0x96: {  	_ =	strace s2  }
0x97: {  	_ =	strace $0x8FFFFFFF  }
0x98: {  	s18 =	sld [smem:$0x3FDB];
	_ =	sdelay $0x1  }
0x99: {  	s19 =	simm.s32 $_scs_section_size  }
0x9a: {  	s4 =	simm.s32 $_size__tile_overlayer_lowered;
	s5 =	simm.s32 $_tile_overlayer_lowered  }
0x9b: {  	s22 =	simm.s32 $0x1BFF;
	s21 =	sshll.u32 s5, $0x1;
	s2 =	sadd.s32 s19, s18  }
0x9c: {  	s6 =	simm.s32 $0x0;
	s20 =	sshll.u32 s4, $0x1;
	s4 =	sadd.s32 s21, s2  }
0x9d: {  	[timem:s6], [sflag:s22] =	dma.local [hbm:s4], s20  }
0x9e: {  	_ =	swait.ge [sflag:s22], s20  }
0x9f: {  	s3 =	ssub.s32 $0x0, s20;
	[sflag:s22] =	ssyncset.done $0x0  }
0xa0: {  	[sflag:s22] =	ssyncadd.s32 s3;
	_ =	sdelay $0x1  }
0xa1: {  	s23 =	simm.s32 $0x1B8B  }
0xa2: {  	_ =	swait.ge [sflag:s23], $0x1  }
0xa3: {  	[sflag:s23] =	ssyncset.done $0x0  }
0xa4: {  	s25 =	simm.s32 $0x1B8E;
	s24 =	sld [smem:$0x3FFE];
	[sflag:s23] =	ssyncadd.s32 $0xFFFFFFFF  }
0xa5: {  	s26 =	simm.s32 $execute0_lowered;
	[smem:$0x3FD2] =	sst s25  }
0xa6: {  	s4 =	sshll.u32 s26, $0x1;
	_ =	strace $0x80000046;
	[dreg:$0x1] =	wrdreg $0xFFFFFFFF  }
0xa7: {  	s28 =	simm.s32 $_size_execute0_lowered;
	s2 =	sadd.s32 s2, s4;
	[dreg:$0x0] =	wrdreg $0x0  }
0xa8: {  	s4 =	sshll.u32 s28, $0x1;
	[dreg:$0x2] =	wrdreg s2  }
0xa9: {  	[dreg:$0x3] =	wrdreg s4  }
0xaa: {  	[dreg:$0x4] =	wrdreg $0xC0  }
0xab: {  	_ =	task [dreg:s6], $0x5FFFF  }
0xac: {  	[dreg:$0x1] =	wrdreg $0xFFFFFFFF  }
0xad: {  	[dreg:$0x0] =	wrdreg $0x60  }
0xae: {  	[dreg:$0x2] =	wrdreg s24  }
0xaf: {  	[dreg:$0x3] =	wrdreg $0x110000  }
0xb0: {  	[dreg:$0x4] =	wrdreg $0x9  }
0xb1: {  	_ =	task.clear_ibuf [dreg:s6], $0x5FFFF;
	_ =	strace $0x90000046  }
0xb2: {  	s29 =	simm.s32 $0x9;
	_ =	strace $0x80000048  }
0xb3: {  	_ =	swait.ge [sflag:s29], $0x1  }
0xb4: {  	[sflag:s29] =	ssyncadd.s32 $0xFFFFFFFF  }
0xb5: {  	_ =	strace $0x90000048  }
0xb6: {  	_ =	sfence  }
0xb7: {  	s30 =	sld [smem:$0x0];
	_ =	sdelay $0x2  }
0xb8: {  	s31 =	sshll.u32 s1, $0xD;
	s1 =	sshrl.u32 s1, $0x2  }
0xb9: {  	s3 =	sand.u32 $0x4000, s31;
	s1 =	sadd.s32 s1, s30  }
0xba: {  	s0 =	sor.u32 s3, s0;
	s1 =	sshll.u32 s1, $0x11  }
0xbb: {  	s0 =	sor.u32 s1, s0  }
0xbc: {  	s0 =	sadd.s32 $0x8F2B, s0  }
0xbd: {  	[sflag:s0] =	ssyncadd.remote.s32 $0x1  }
0xbe: {  	_ =	sfence.sel $0xFFFF  }
0xbf: {  	[dreg:$0x0] =	wrdreg $0xFFFFFFFF;
	(pc) =	sbr.abs _section_cstart, $3  }
0xc0: {  	[dreg:$0x1] =	wrdreg $0xFFFFFFFF  }
0xc1: {  	_ =	task.clear_ibuf [dreg:s6], $0x2FFFF;
	_ =	strace $0x9FFFFFFF  }
0xc2: {  	(tm) =	ssettm $0x7FFFFFFF  }
0xc3: {  	_ =	shalt  }
tec
execute0_lowered:
.L_overlay_start_1:
0x0: {  	(tag) =	ssettag $0x1  }
0x1: {  	s18 =	rddreg [dreg:$0x0];
	s0 =	srdreg.scid  }
0x2: {  	s1 =	rddreg [dreg:$0x1];
	s19 =	sand.u32 $0x1, s0  }
0x3: {  	s7 =	stileid.u32;
	s2 =	simm.s32 $0x0;
	s3 =	sshll.u32 s19, $0x9  }
0x4: {  	s0 =	rddreg [dreg:$0x2];
	s4 =	sshll.u32 s7, $0xA;
	s3 =	sadd.s32 s3, s18  }
0x5: {  	[smem:$0x7FF] =	sst s2;
	s3 =	sadd.s32 s4, s3  }
0x6: {  	_ =	strace $0x80000047;
	s4 =	simm.s32 $0x1;
	s3 =	sadd.s32 $0x1000, s3  }
0x7: {  	[tilespmem:s2], [sflag:$0x1] =	stream.linear.gather [hbm4b:s3+s2], $0x1000, $0x38;
	[tilespmem:$0x11400] =	vst v63  }
0x8: {  	_ =	swait.ge [sflag:s4], $0x1000  }
0x9: {  	[sflag:s4] =	ssyncset.done $0x0  }
0xa: {  	s6 =	simm.s32 $0x1000;
	s5 =	sadd.s32 $0x5000, s18;
	[sflag:s4] =	ssyncadd.s32 $0xFFFFF000  }
0xb: {  	[tilespmem:s6], [sflag:$0x1] =	stream.linear.gather [hbm4b:s5+s2], $0x10000, $0x38;
	[tilespmem:$0x11400] =	vst v63  }
0xc: {  	p0 =	sne.s32 s7, $0x0;
	_ =	swait.ge [sflag:s4], $0x10000  }
0xd: {  	s7 =	sadd.s32 $0x7000, s18;
	s9 =	sshrl.u32 @!p0 s1, $0x3;
	[sflag:s4] =	ssyncset.done $0x0  }
0xe: {  	s10 =	simm.s32 @!p0 $0x1C01;
	s8 =	simm.s32 @!p0 $0x1;
	[sflag:s4] =	ssyncadd.s32 $0xFFFF0000  }
0xf: {  	[spmem:s9], [sflag:s10] =	dma.local @!p0 [hbm:s7], $0x4000  }
0x10: {  	_ =	swait.ge @!p0 [sflag:s8], $0x4000  }
0x11: {  	[sflag:s8] =	ssyncset.done @!p0 $0x0  }
0x12: {  	[sflag:s8] =	ssyncadd.s32 @!p0 $0xFFFFC000  }
0x13: {  	s11 =	simm.s32 $0x200;
	[bflag:$0x0] =	sbarrier.arrive $0xFFFF  }
0x14: {  	[spmem:s1] =	stream.indirect.scatter.add.f32 [tilespmem:s6], [sflag:$0x1], $0x10, s2, s11, $0xb8;
	[tilespmem:$0x11400] =	vst v63  }
0x15: {  	_ =	swait.ge [sflag:s4], $0x2000  }
0x16: {  	[sflag:s4] =	ssyncset.done $0x0  }
0x17: {  	[sflag:s4] =	ssyncadd.s32 $0xFFFFE000  }
0x18: {  	[spmem:s1] =	stream.indirect.scatter.add.f32 [tilespmem:s6], [sflag:$0x1], $0x10, s11, s11, $0xb8;
	[tilespmem:$0x11400] =	vst v63  }
0x19: {  	_ =	swait.ge [sflag:s4], $0x2000  }
0x1a: {  	[sflag:s4] =	ssyncset.done $0x0  }
0x1b: {  	s12 =	simm.s32 $0x400;
	[sflag:s4] =	ssyncadd.s32 $0xFFFFE000  }
0x1c: {  	[spmem:s1] =	stream.indirect.scatter.add.f32 [tilespmem:s6], [sflag:$0x1], $0x10, s12, s11, $0xb8;
	[tilespmem:$0x11400] =	vst v63  }
0x1d: {  	_ =	swait.ge [sflag:s4], $0x2000  }
0x1e: {  	[sflag:s4] =	ssyncset.done $0x0  }
0x1f: {  	s13 =	simm.s32 $0x600;
	[sflag:s4] =	ssyncadd.s32 $0xFFFFE000  }
0x20: {  	[spmem:s1] =	stream.indirect.scatter.add.f32 [tilespmem:s6], [sflag:$0x1], $0x10, s13, s11, $0xb8;
	[tilespmem:$0x11400] =	vst v63  }
0x21: {  	_ =	swait.ge [sflag:s4], $0x2000  }
0x22: {  	[sflag:s4] =	ssyncset.done $0x0  }
0x23: {  	s14 =	simm.s32 $0x800;
	[sflag:s4] =	ssyncadd.s32 $0xFFFFE000  }
0x24: {  	[spmem:s1] =	stream.indirect.scatter.add.f32 [tilespmem:s6], [sflag:$0x1], $0x10, s14, s11, $0xb8;
	[tilespmem:$0x11400] =	vst v63  }
0x25: {  	_ =	swait.ge [sflag:s4], $0x2000  }
0x26: {  	[sflag:s4] =	ssyncset.done $0x0  }
0x27: {  	s15 =	simm.s32 $0xA00;
	[sflag:s4] =	ssyncadd.s32 $0xFFFFE000  }
0x28: {  	[spmem:s1] =	stream.indirect.scatter.add.f32 [tilespmem:s6], [sflag:$0x1], $0x10, s15, s11, $0xb8;
	[tilespmem:$0x11400] =	vst v63  }
0x29: {  	_ =	swait.ge [sflag:s4], $0x2000  }
0x2a: {  	[sflag:s4] =	ssyncset.done $0x0  }
0x2b: {  	s16 =	simm.s32 $0xC00;
	s20 =	ssub.s32 $0x2, s19;
	[sflag:s4] =	ssyncadd.s32 $0xFFFFE000  }
0x2c: {  	[spmem:s1] =	stream.indirect.scatter.add.f32 [tilespmem:s6], [sflag:$0x1], $0x10, s16, s11, $0xb8;
	[tilespmem:$0x11400] =	vst v63  }
0x2d: {  	s21 =	sshrl.u32 s20, $0x1;
	_ =	swait.ge [sflag:s4], $0x2000  }
0x2e: {  	s17 =	simm.s32 $0xE00;
	s20 =	ssub.s32 s20, s21;
	[sflag:s4] =	ssyncset.done $0x0  }
0x2f: {  	s19 =	sshll.u32 s19, $0xE;
	s31 =	smax.u32 s20, $0x1;
	[sflag:s4] =	ssyncadd.s32 $0xFFFFE000  }
0x30: {  	[spmem:s1] =	stream.indirect.scatter.add.f32 [tilespmem:s6], [sflag:$0x1], $0x10, s17, s11, $0xb8;
	[tilespmem:$0x11400] =	vst v63  }
0x31: {  	s18 =	sadd.s32 s19, s18;
	s19 =	sadd.s32 $0xFFFFFFFF, s31;
	_ =	swait.ge [sflag:s4], $0x2000  }
0x32: {  	p1 =	sne.s32 s19, $0x0;
	[sflag:s4] =	ssyncset.done $0x0  }
.Ltmp0:
0x33: {  	[sflag:s4] =	ssyncadd.s32 $0xFFFFE000;
	(pc) =	sbr.rel @!p1 .LBB2_2-.Ltmp0, $4  }
0x34: {  	s18 =	sadd.s32 $0xB000, s18;
	[bflag:$0x0] =	sbarrier.arrive $0xFFFF  }
0x35: {  	[hbm:s18], [sflag:s10] =	dma.local @!p0 [spmem:s9], $0x4000  }
0x36: {  	_ =	swait.ge @!p0 [sflag:s8], $0x4000  }
0x37: {  	[sflag:s8] =	ssyncset.done @!p0 $0x0  }
.LBB2_1:
0x38: {  	s19 =	sadd.s32 $0xFFFFFFFF, s19;
	[sflag:s8] =	ssyncadd.s32 @!p0 $0xFFFFC000  }
0x39: {  	[tilespmem:s2], [sflag:$0x1] =	stream.linear.gather [hbm4b:s3+s2], $0x1000, $0x38;
	[tilespmem:$0x11400] =	vst v63  }
0x3a: {  	p1 =	sne.s32 s19, $0x0;
	_ =	swait.ge [sflag:s4], $0x1000  }
0x3b: {  	[sflag:s4] =	ssyncset.done $0x0  }
0x3c: {  	[sflag:s4] =	ssyncadd.s32 $0xFFFFF000  }
0x3d: {  	[tilespmem:s6], [sflag:$0x1] =	stream.linear.gather [hbm4b:s5+s2], $0x10000, $0x38;
	[tilespmem:$0x11400] =	vst v63  }
0x3e: {  	_ =	swait.ge [sflag:s4], $0x10000  }
0x3f: {  	[sflag:s4] =	ssyncset.done $0x0  }
0x40: {  	[sflag:s4] =	ssyncadd.s32 $0xFFFF0000  }
0x41: {  	[spmem:s9], [sflag:s10] =	dma.local @!p0 [hbm:s7], $0x4000  }
0x42: {  	_ =	swait.ge @!p0 [sflag:s8], $0x4000  }
0x43: {  	[sflag:s8] =	ssyncset.done @!p0 $0x0  }
0x44: {  	[sflag:s8] =	ssyncadd.s32 @!p0 $0xFFFFC000  }
0x45: {  	[bflag:$0x0] =	sbarrier.arrive $0xFFFF  }
0x46: {  	[spmem:s1] =	stream.indirect.scatter.add.f32 [tilespmem:s6], [sflag:$0x1], $0x10, s2, s11, $0xb8;
	[tilespmem:$0x11400] =	vst v63  }
0x47: {  	_ =	swait.ge [sflag:s4], $0x2000  }
0x48: {  	[sflag:s4] =	ssyncset.done $0x0  }
0x49: {  	[sflag:s4] =	ssyncadd.s32 $0xFFFFE000  }
0x4a: {  	[spmem:s1] =	stream.indirect.scatter.add.f32 [tilespmem:s6], [sflag:$0x1], $0x10, s11, s11, $0xb8;
	[tilespmem:$0x11400] =	vst v63  }
0x4b: {  	_ =	swait.ge [sflag:s4], $0x2000  }
0x4c: {  	[sflag:s4] =	ssyncset.done $0x0  }
0x4d: {  	[sflag:s4] =	ssyncadd.s32 $0xFFFFE000  }
0x4e: {  	[spmem:s1] =	stream.indirect.scatter.add.f32 [tilespmem:s6], [sflag:$0x1], $0x10, s12, s11, $0xb8;
	[tilespmem:$0x11400] =	vst v63  }
0x4f: {  	_ =	swait.ge [sflag:s4], $0x2000  }
0x50: {  	[sflag:s4] =	ssyncset.done $0x0  }
0x51: {  	[sflag:s4] =	ssyncadd.s32 $0xFFFFE000  }
0x52: {  	[spmem:s1] =	stream.indirect.scatter.add.f32 [tilespmem:s6], [sflag:$0x1], $0x10, s13, s11, $0xb8;
	[tilespmem:$0x11400] =	vst v63  }
0x53: {  	_ =	swait.ge [sflag:s4], $0x2000  }
0x54: {  	[sflag:s4] =	ssyncset.done $0x0  }
0x55: {  	[sflag:s4] =	ssyncadd.s32 $0xFFFFE000  }
0x56: {  	[spmem:s1] =	stream.indirect.scatter.add.f32 [tilespmem:s6], [sflag:$0x1], $0x10, s14, s11, $0xb8;
	[tilespmem:$0x11400] =	vst v63  }
0x57: {  	_ =	swait.ge [sflag:s4], $0x2000  }
0x58: {  	[sflag:s4] =	ssyncset.done $0x0  }
0x59: {  	[sflag:s4] =	ssyncadd.s32 $0xFFFFE000  }
0x5a: {  	[spmem:s1] =	stream.indirect.scatter.add.f32 [tilespmem:s6], [sflag:$0x1], $0x10, s15, s11, $0xb8;
	[tilespmem:$0x11400] =	vst v63  }
0x5b: {  	_ =	swait.ge [sflag:s4], $0x2000  }
0x5c: {  	[sflag:s4] =	ssyncset.done $0x0  }
0x5d: {  	[sflag:s4] =	ssyncadd.s32 $0xFFFFE000  }
0x5e: {  	[spmem:s1] =	stream.indirect.scatter.add.f32 [tilespmem:s6], [sflag:$0x1], $0x10, s16, s11, $0xb8;
	[tilespmem:$0x11400] =	vst v63  }
0x5f: {  	_ =	swait.ge [sflag:s4], $0x2000  }
0x60: {  	[sflag:s4] =	ssyncset.done $0x0  }
0x61: {  	[sflag:s4] =	ssyncadd.s32 $0xFFFFE000  }
0x62: {  	[spmem:s1] =	stream.indirect.scatter.add.f32 [tilespmem:s6], [sflag:$0x1], $0x10, s17, s11, $0xb8;
	[tilespmem:$0x11400] =	vst v63  }
0x63: {  	_ =	swait.ge [sflag:s4], $0x2000  }
0x64: {  	[sflag:s4] =	ssyncset.done $0x0  }
.Ltmp1:
0x65: {  	[sflag:s4] =	ssyncadd.s32 $0xFFFFE000;
	(pc) =	sbr.rel @p1 .LBB2_1-.Ltmp1, $4  }
0x66: {  	[bflag:$0x0] =	sbarrier.arrive $0xFFFF  }
0x67: {  	[hbm:s18], [sflag:s10] =	dma.local @!p0 [spmem:s9], $0x4000  }
0x68: {  	_ =	swait.ge @!p0 [sflag:s8], $0x4000  }
0x69: {  	[sflag:s8] =	ssyncset.done @!p0 $0x0  }
.LBB2_2:
0x6a: {  	[sflag:s8] =	ssyncadd.s32 @!p0 $0xFFFFC000  }
0x6b: {  	_ =	sfence.sel $0x180000  }
0x6c: {  	[bflag:$0x0] =	sbarrier.arrive $0xFFFF  }
0x6d: {  	_ =	strace $0x90000047  }
0x6e: {  	s0 =	sadd.s32 @!p0 $0x100000, s0;
	[bflag:$0x2] =	sbarrier.arrive $0xFFFF  }
0x6f: {  	[sflag:s0] =	ssyncadd.tile.s32 @!p0 $0x1;
	_ =	shalt  }
.Lfunc_end2:
_tile_overlayer_lowered:
.L_overlay_start_2:
0x70: {  	(tag) =	ssettag $0x2  }
0x71: {  	s0 =	rddreg [dreg:$0x0];
	s2 =	stileid.u32  }
0x72: {  	s1 =	rddreg [dreg:$0x1];
	p0 =	sne.s32 s2, $0x0  }
0x73: {  	s3 =	rddreg [dreg:$0x2];
	[bflag:$0x3] =	sbarrier.arrive $0xFFFF;
	s2 =	simm.s32 @!p0 $0x1C01  }
0x74: {  	[timem:s3], [sflag:s2] =	dma.local @!p0 [hbm:s0], s1  }
0x75: {  	s0 =	simm.s32 @!p0 $0x1  }
0x76: {  	_ =	swait.ge @!p0 [sflag:s0], s1  }
0x77: {  	s1 =	ssub.s32 @!p0 $0x0, s1;
	[sflag:s0] =	ssyncset.done @!p0 $0x0  }
0x78: {  	[sflag:s0] =	ssyncadd.s32 @!p0 s1  }
0x79: {  	[bflag:$0x3] =	sbarrier.arrive $0xFFFF  }
0x7a: {  	_ =	shalt  }

</sc_bundles>
